<compile_context>
chip_gen: v7x
topology: tpu7x:2x2x1
jax: 0.10.2.dev20260603
libtpu: 0.0.44.dev20260713+nightly
codegen_flags: <defaults>
</compile_context>

<pallas_src>
import functools

import jax
import jax.numpy as jnp
from jax import lax
from jax.experimental import pallas as pl
from jax.experimental.pallas import tpu as pltpu
from jax.experimental.pallas import tpu_sc as plsc

NC, NS, L = 2, 16, 16
NW = NC * NS
D = 128
DW = 144
CHUNK = 128
FFN = 512


def _rup(x, m):
    return (x + m - 1) // m * m


def _pad1(x, n, val):
    if x.shape[0] == n:
        return x
    return jnp.concatenate([x, jnp.full((n - x.shape[0],), val, x.dtype)])




@functools.partial(jax.jit, static_argnums=(2,))
def _sc_gather(table, idx, n_chunks):
    B = idx.shape[0]
    bpw = B // NW
    CW = bpw // n_chunks
    Dm = table.shape[1]
    mesh = plsc.VectorSubcoreMesh(core_axis_name="c", subcore_axis_name="s",
                                  num_cores=NC, num_subcores=NS)

    @functools.partial(
        pl.kernel,
        out_type=jax.ShapeDtypeStruct((B, Dm), jnp.float32),
        mesh=mesh,
        compiler_params=pltpu.CompilerParams(use_tc_tiling_on_sc=False, needs_layout_passes=False),
        scratch_types=[
            pltpu.VMEM((CW,), jnp.int32),
            pltpu.VMEM((CW, Dm), jnp.float32),
            pltpu.SemaphoreType.DMA,
        ],
    )
    def gk(tab_hbm, idx_hbm, out_hbm, idx_v, rows_v, sem):
        wid = lax.axis_index("s") * NC + lax.axis_index("c")
        base = wid * bpw
        for i in range(n_chunks):
            off = base + i * CW
            pltpu.sync_copy(idx_hbm.at[pl.ds(off, CW)], idx_v)
            pltpu.async_copy(tab_hbm.at[idx_v], rows_v, sem).wait()
            pltpu.sync_copy(rows_v, out_hbm.at[pl.ds(off, CW)])

    return gk(table, idx)


def _make_edge_kernel(E_pad, Nsrc16, NdP, C):
    E_half = E_pad // NC
    n_t = E_half // NS
    n_chunks = n_t // C
    n_pairs = n_chunks // 2
    R = NdP + 16
    rows_per_tile = NdP // NS
    zr = R // NS
    mesh = plsc.VectorSubcoreMesh(core_axis_name="c", subcore_axis_name="s",
                                  num_cores=NC, num_subcores=NS)

    @functools.partial(
        pl.kernel,
        out_type=jax.ShapeDtypeStruct((NC, NdP, DW), jnp.float32),
        mesh=mesh,
        compiler_params=pltpu.CompilerParams(use_tc_tiling_on_sc=False,
                                             needs_layout_passes=False),
        scratch_types=[
            pltpu.VMEM((Nsrc16,), jnp.float32),
            pltpu.VMEM((NdP + 16,), jnp.float32),
            pltpu.VMEM((16,), jnp.float32),
            pltpu.VMEM((16,), jnp.float32),
            pltpu.VMEM((3, C), jnp.int32),
            pltpu.VMEM((3, C), jnp.int32),
            pltpu.VMEM((C, DW), jnp.float32),
            pltpu.VMEM((C, DW), jnp.float32),
            pltpu.VMEM((C,), jnp.float32),
            pltpu.VMEM((C,), jnp.float32),
            pltpu.VMEM_SHARED((R, DW), jnp.float32),
            pltpu.SemaphoreType.DMA,
            pltpu.SemaphoreType.DMA,
        ],
    )
    def ek(ipk, zp_hbm, zs_hbm, zd_hbm, ea_hbm, stab_hbm, out_hbm,
           zs_tab, zd_tab, ea_tab, stab_v, idxA, idxB, rowsA, rowsB,
           exA, exB, u_sh, gsemA, gsemB):
        cid = lax.axis_index("c")
        sid = lax.axis_index("s")

        pltpu.sync_copy(zs_hbm, zs_tab)
        pltpu.sync_copy(zd_hbm, zd_tab)
        pltpu.sync_copy(ea_hbm, ea_tab)
        pltpu.sync_copy(stab_hbm, stab_v)
        stab = stab_v[...]

        def zrow(i, _):
            for j in range(DW // L):
                rowsA[i, pl.ds(j * L, L)] = jnp.zeros((L,), jnp.float32)
            return 0
        lax.fori_loop(0, C, zrow, 0)
        zbase = sid * zr
        off = 0
        while off < zr:
            n = min(C, zr - off)
            pltpu.sync_copy(rowsA.at[pl.ds(0, n)],
                            u_sh.at[pl.ds(zbase + off, n)])
            off += n
        plsc.subcore_barrier()

        cbase = (cid * NS + sid) * n_chunks
        ohv = jnp.where(lax.iota(jnp.int32, 16) == 0, 1.0, 0.0)

        def grp_phase(idx, ex_v):
            def grp(g, _):
                sl = pl.ds(g * L, L)
                lg = (plsc.load_gather(zs_tab, [idx[0, sl]])
                      + plsc.load_gather(zd_tab, [idx[1, sl]])
                      + plsc.load_gather(ea_tab, [idx[2, sl]]))
                lg = jnp.maximum(lg, 0.2 * lg)
                ex_v[sl] = jnp.exp(lg - stab)
                return 0
            lax.fori_loop(0, C // L, grp, 0)

        def rowmul_phase(ex_v, rows):
            def rowmul(g, _):
                exg = ex_v[pl.ds(g * L, L)]
                for lane in range(L):
                    s = exg[lane]
                    e = g * L + lane
                    for j in range(DW // L - 1):
                        sl = pl.ds(j * L, L)
                        rows[e, sl] = rows[e, sl] * s
                    rows[e, pl.ds(D, L)] = s * ohv
                return 0
            lax.fori_loop(0, C // L, rowmul, 0)

        pltpu.sync_copy(ipk.at[cbase], idxA)
        pltpu.async_copy(zp_hbm.at[idxA.at[0]], rowsA, gsemA)
        grp_phase(idxA, exA)

        def pair(k, _):
            i0 = 2 * k
            pltpu.sync_copy(ipk.at[cbase + i0 + 1], idxB)
            pltpu.async_copy(zp_hbm.at[idxB.at[0]], rowsB, gsemB)
            grp_phase(idxB, exB)
            pltpu.make_async_copy(zp_hbm.at[idxA.at[0]], rowsA, gsemA).wait()
            rowmul_phase(exA, rowsA)
            pltpu.sync_copy(rowsA, u_sh.at[idxA.at[1]], add=True)

            @pl.when(k < n_pairs - 1)
            def _():
                pltpu.sync_copy(ipk.at[cbase + i0 + 2], idxA)
                pltpu.async_copy(zp_hbm.at[idxA.at[0]], rowsA, gsemA)
                grp_phase(idxA, exA)

            pltpu.make_async_copy(zp_hbm.at[idxB.at[0]], rowsB, gsemB).wait()
            rowmul_phase(exB, rowsB)
            pltpu.sync_copy(rowsB, u_sh.at[idxB.at[1]], add=True)
            return 0
        lax.fori_loop(0, n_pairs, pair, 0)

        plsc.subcore_barrier()
        ob = sid * rows_per_tile
        pltpu.sync_copy(u_sh.at[pl.ds(ob, rows_per_tile)],
                        out_hbm.at[cid, pl.ds(ob, rows_per_tile)])

    return ek


def _pack_idx(srcp, dstp, tfp, c):
    return jnp.stack([srcp.reshape(-1, c), dstp.reshape(-1, c),
                      tfp.reshape(-1, c)], axis=1)




def _prep(h_src, h_dst, W, Wd, a_s, a_d, etab, a_e, Ns16, Ndt):
    Ns = h_src.shape[0]
    Nd = h_dst.shape[0]
    T = etab.shape[0]

    def body(hs_ref, hd_ref, w_ref, wd_ref, as_ref, ad_ref, te_ref, ae_ref,
             zp_ref, zs_ref, zd_ref, ea_ref, st_ref):
        z = jnp.dot(hs_ref[...], w_ref[...], preferred_element_type=jnp.float32)
        zp_ref[...] = jnp.zeros((Ns16, DW), jnp.float32)
        zp_ref[0:Ns, 0:D] = z
        zp_ref[0:Ns, D:D + 1] = jnp.ones((Ns, 1), jnp.float32)
        zsv = jnp.dot(z, as_ref[...], preferred_element_type=jnp.float32)
        zs_ref[...] = jnp.zeros((Ns16, 1), jnp.float32)
        zs_ref[0:Ns, :] = zsv
        wdv = jnp.dot(wd_ref[...], ad_ref[...], preferred_element_type=jnp.float32)
        zdv = jnp.dot(hd_ref[...], wdv, preferred_element_type=jnp.float32)
        zd_ref[...] = jnp.zeros((Ndt, 1), jnp.float32)
        zd_ref[0:Nd, :] = zdv
        eav = jnp.dot(te_ref[...], ae_ref[...], preferred_element_type=jnp.float32)
        ea_ref[...] = jnp.zeros((1, 16), jnp.float32)
        ea_ref[0:1, 0:T] = jnp.reshape(eav, (1, T))
        m = jnp.max(zsv) + jnp.max(zdv) + jnp.max(eav)
        m = jnp.maximum(m, 0.2 * m)
        st_ref[...] = jnp.full((1, 16), m, jnp.float32)

    zp, zs, zd, ea, st = pl.pallas_call(
        body,
        out_shape=[
            jax.ShapeDtypeStruct((Ns16, DW), jnp.float32),
            jax.ShapeDtypeStruct((Ns16, 1), jnp.float32),
            jax.ShapeDtypeStruct((Ndt, 1), jnp.float32),
            jax.ShapeDtypeStruct((1, 16), jnp.float32),
            jax.ShapeDtypeStruct((1, 16), jnp.float32),
        ],
    )(h_src, h_dst, W, Wd, a_s.reshape(D, 1), a_d.reshape(D, 1), etab,
      a_e.reshape(-1, 1))
    return zp, zs.reshape(-1), zd.reshape(-1), ea.reshape(-1), st.reshape(-1)


def _epilogue(up, h_dst, W1, W2):
    Nd = h_dst.shape[0]
    Nd16 = up.shape[1]
    BR = min(2048, Nd16)
    grid = (pl.cdiv(Nd16, BR),)

    def body(up_ref, hd_ref, w1_ref, w2_ref, out_ref):
        u = up_ref[0] + up_ref[1]
        den = u[:, D:D + 1]
        safe = jnp.where(den > 0, den, 1.0)
        agg = jnp.where(den > 0, u[:, 0:D] / safe, 0.0)
        h = jnp.where(agg > 0, agg, jnp.exp(jnp.minimum(agg, 0.0)) - 1.0)
        hf = jnp.dot(jnp.maximum(jnp.dot(h, w1_ref[...],
                                         preferred_element_type=jnp.float32),
                                 0.0),
                     w2_ref[...], preferred_element_type=jnp.float32)
        out_ref[...] = hd_ref[...] + h + hf

    return pl.pallas_call(
        body,
        grid=grid,
        in_specs=[
            pl.BlockSpec((2, BR, DW), lambda i: (0, i, 0)),
            pl.BlockSpec((BR, D), lambda i: (i, 0)),
            pl.BlockSpec((D, FFN), lambda i: (0, 0)),
            pl.BlockSpec((FFN, D), lambda i: (0, 0)),
        ],
        out_specs=pl.BlockSpec((BR, D), lambda i: (i, 0)),
        out_shape=jax.ShapeDtypeStruct((Nd, D), jnp.float32),
    )(up, h_dst, W1, W2)


def _matmul_tc(x, w):
    def body(x_ref, w_ref, o_ref):
        o_ref[...] = jnp.dot(x_ref[...], w_ref[...],
                             preferred_element_type=jnp.float32)
    return pl.pallas_call(
        body,
        out_shape=jax.ShapeDtypeStruct((x.shape[0], w.shape[1]), jnp.float32),
    )(x, w)


def _head_tc(x, wh, bh):
    def body(x_ref, w_ref, b_ref, o_ref):
        y = jnp.dot(x_ref[...], w_ref[...], preferred_element_type=jnp.float32)
        o_ref[...] = 1.0 / (1.0 + jnp.exp(-(y + b_ref[...])))
    return pl.pallas_call(
        body,
        out_shape=jax.ShapeDtypeStruct((x.shape[0], wh.shape[1]), jnp.float32),
    )(x, wh, bh.reshape(1, -1))




def _gat_layer(h_src, h_dst, ipk, etab, p, edge_k, Ns16, Ndt):
    zp, zs, zd, ea, st = _prep(h_src, h_dst, p['W'], p['Wd'], p['a_s'],
                               p['a_d'], etab, p['a_e'], Ns16, Ndt)
    up = edge_k(ipk, zp, zs, zd, ea, st)
    return _epilogue(up, h_dst, p['W1'], p['W2'])


def kernel(wid, ws_src, ws_dst, tffrac, ww_src, ww_dst, tffrac_ww,
           ss_src, ss_dst, simfrac, sent_init, embed_table, tf_embed,
           sim_embed, W_proj, p_w2s, p_s2w, p_s2s, p_w2w, Wh, bh):
    N_W = wid.shape[0]
    N_S = sent_init.shape[0]
    E_WS = ws_src.shape[0]
    E_WW = ww_src.shape[0]
    E_SS = ss_src.shape[0]
    NW16 = _rup(N_W, 16)
    NS16 = _rup(N_S, 16)
    NW_P = _rup(N_W, 128)
    NS_P = _rup(N_S, 128)

    EP_WS = _rup(E_WS, NW * CHUNK * 2)
    EP_WW = _rup(E_WW, NW * 64 * 2)
    EP_SS = _rup(E_SS, NW * CHUNK * 2)
    i32 = jnp.int32
    ws_s = _pad1(ws_src.astype(i32), EP_WS, 0)
    ws_d = _pad1(ws_dst.astype(i32), EP_WS, NS_P)
    ws_d_rev = _pad1(ws_dst.astype(i32), EP_WS, 0)
    ws_s_rev = _pad1(ws_src.astype(i32), EP_WS, NW_P)
    tf_p = _pad1(tffrac.astype(i32), EP_WS, 0)
    ww_s = _pad1(ww_src.astype(i32), EP_WW, 0)
    ww_d = _pad1(ww_dst.astype(i32), EP_WW, NW_P)
    tfw_p = _pad1(tffrac_ww.astype(i32), EP_WW, 0)
    ss_s = _pad1(ss_src.astype(i32), EP_SS, 0)
    ss_d = _pad1(ss_dst.astype(i32), EP_SS, NS_P)
    sim_p = _pad1(simfrac.astype(i32), EP_SS, 0)

    B = _rup(N_W, NW * 64)
    widp = _pad1(wid.astype(i32), B, 0)
    word_feature = _sc_gather(embed_table, widp, (B // NW) // 64)[:N_W]

    sent_feature = _matmul_tc(sent_init, W_proj)

    ek_w2s = _make_edge_kernel(EP_WS, NW16, NS_P, CHUNK)
    ek_w2w = _make_edge_kernel(EP_WW, NW16, NW_P, 64)
    ek_s2w = _make_edge_kernel(EP_WS, NS16, NW_P, 64)
    ek_s2s = _make_edge_kernel(EP_SS, NS16, NS_P, CHUNK)

    ipk_w2s = _pack_idx(ws_s, ws_d, tf_p, CHUNK)
    ipk_w2w = _pack_idx(ww_s, ww_d, tfw_p, 64)
    ipk_s2w = _pack_idx(ws_d_rev, ws_s_rev, tf_p, 64)
    ipk_s2s = _pack_idx(ss_s, ss_d, sim_p, CHUNK)

    word_state = word_feature
    sent_state = _gat_layer(word_state, sent_feature, ipk_w2s,
                            tf_embed, p_w2s, ek_w2s, NW16, NS_P + 16)
    word_state = _gat_layer(word_state, word_state, ipk_w2w,
                            tf_embed, p_w2w, ek_w2w, NW16, NW_P + 16)
    word_state = _gat_layer(sent_state, word_state, ipk_s2w,
                            tf_embed, p_s2w, ek_s2w, NS16, NW_P + 16)
    sent_state = _gat_layer(word_state, sent_state, ipk_w2s,
                            tf_embed, p_w2s, ek_w2s, NW16, NS_P + 16)
    sent_state = _gat_layer(sent_state, sent_state, ipk_s2s,
                            sim_embed, p_s2s, ek_s2s, NS16, NS_P + 16)

    return _head_tc(sent_state, Wh, bh)

# --- scband reference (transcript-rebuilt; emitter-appended) ---
"""Pipeline reference for scband-hhdoc-graph-sum-5574867550778 (READ-ONLY COPY).

The authoritative reference and input builder live on the scoring server;
editing this copy changes nothing except your own understanding.
"""

import jax, jax.numpy as jnp
import numpy as np

N_W = 10000
N_S = 1000
VOCAB = 50000
D = 128
FE = 64
FFN = 512
N_ITER = 1
E_WS, E_WW, E_SS = 320000, 160000, 32000


def _mk_gat(key, in_dim, out_dim, fe=FE, ffn=FFN):
    ks = jax.random.split(key, 7)
    s = 1.0 / np.sqrt(in_dim)
    return {
        'W': jax.random.normal(ks[0], (in_dim, out_dim), jnp.float32) * s,
        'Wd': jax.random.normal(ks[1], (in_dim, out_dim), jnp.float32) * s,
        'a_s': jax.random.normal(ks[2], (out_dim,), jnp.float32) * s,
        'a_d': jax.random.normal(ks[3], (out_dim,), jnp.float32) * s,
        'a_e': jax.random.normal(ks[4], (fe,), jnp.float32) * 0.1,
        'W1': jax.random.normal(ks[5], (out_dim, ffn), jnp.float32) * s,
        'W2': jax.random.normal(ks[6], (ffn, out_dim), jnp.float32) * (1.0 / np.sqrt(ffn)),
    }


def _gat(h_src, h_dst, src, dst, e_feat, p, n_dst):
    # WSWGAT: edge-feature-conditioned graph attention + positionwise FFN + residual
    z = h_src @ p['W']
    zd = h_dst @ p['Wd']
    logit = jax.nn.leaky_relu(
        jnp.sum(z[src] * p['a_s'], axis=-1)
        + jnp.sum(zd[dst] * p['a_d'], axis=-1)
        + e_feat @ p['a_e'],
        negative_slope=0.2)
    m = jax.ops.segment_max(logit, dst, num_segments=n_dst)
    m = jnp.where(jnp.isfinite(m), m, 0.0)
    ex = jnp.exp(logit - m[dst])
    den = jax.ops.segment_sum(ex, dst, num_segments=n_dst)
    alpha = ex / (den[dst] + 1e-9)
    agg = jax.ops.segment_sum(alpha[:, None] * z[src], dst, num_segments=n_dst)
    h = jax.nn.elu(agg)
    h = h + jax.nn.relu(h @ p['W1']) @ p['W2']
    return h_dst + h


def setup_inputs(seed: int = 0) -> dict:
    key = jax.random.key(seed)
    ks = jax.random.split(key, 24)
    return {
        'wid': jax.random.randint(ks[0], (N_W,), 0, VOCAB),
        'ws_src': jax.random.randint(ks[1], (E_WS,), 0, N_W),
        'ws_dst': jax.random.randint(ks[2], (E_WS,), 0, N_S),
        'tffrac': jax.random.randint(ks[3], (E_WS,), 0, 10),
        'ww_src': jax.random.randint(ks[4], (E_WW,), 0, N_W),
        'ww_dst': jax.random.randint(ks[5], (E_WW,), 0, N_W),
        'tffrac_ww': jax.random.randint(ks[6], (E_WW,), 0, 10),
        'ss_src': jax.random.randint(ks[7], (E_SS,), 0, N_S),
        'ss_dst': jax.random.randint(ks[8], (E_SS,), 0, N_S),
        'simfrac': jax.random.randint(ks[9], (E_SS,), 0, 10),
        'sent_init': jax.random.normal(ks[10], (N_S, D), jnp.float32),
        'embed_table': jax.random.normal(ks[11], (VOCAB, D), jnp.float32) * 0.05,
        'tf_embed': jax.random.normal(ks[12], (10, FE), jnp.float32) * 0.05,
        'sim_embed': jax.random.normal(ks[13], (10, FE), jnp.float32) * 0.05,
        'W_proj': jax.random.normal(ks[14], (D, D), jnp.float32) * (1.0 / np.sqrt(D)),
        'p_w2s': _mk_gat(ks[15], D, D),
        'p_s2w': _mk_gat(ks[16], D, D),
        'p_s2s': _mk_gat(ks[17], D, D),
        'p_w2w': _mk_gat(ks[18], D, D),
        'Wh': jax.random.normal(ks[19], (D, 2), jnp.float32) * (1.0 / np.sqrt(D)),
        'bh': jnp.zeros((2,), jnp.float32),
    }


def reference(wid, ws_src, ws_dst, tffrac, ww_src, ww_dst, tffrac_ww,
              ss_src, ss_dst, simfrac, sent_init, embed_table, tf_embed,
              sim_embed, W_proj, p_w2s, p_s2w, p_s2s, p_w2w, Wh, bh):
    # set_wnfeature: word embedding lookup + edge tf/sim embeddings
    word_feature = embed_table[wid]
    e_tf = tf_embed[tffrac]
    e_tf_ww = tf_embed[tffrac_ww]
    e_sim = sim_embed[simfrac]
    # set_snfeature -> n_feature_proj
    sent_feature = sent_init @ W_proj
    word_state = word_feature
    sent_state = _gat(word_state, sent_feature, ws_src, ws_dst, e_tf, p_w2s, N_S)
    for _ in range(N_ITER):
        word_state = _gat(word_state, word_state, ww_src, ww_dst, e_tf_ww, p_w2w, N_W)
        word_state = _gat(sent_state, word_state, ws_dst, ws_src, e_tf, p_s2w, N_W)
        sent_state = _gat(word_state, sent_state, ws_src, ws_dst, e_tf, p_w2s, N_S)
        sent_state = _gat(sent_state, sent_state, ss_src, ss_dst, e_sim, p_s2s, N_S)
    return jax.nn.sigmoid(sent_state @ Wh + bh)

if __name__ == "__main__":
    import jax
    _d = setup_inputs()
    print(jax.jit(kernel)(*tuple(_d.values())))

</pallas_src>

<mosaic_0001>
#map = affine_map<(d0, d1) -> (0, 0)>
#map1 = affine_map<(d0, d1) -> (0)>
module attributes {stable_mosaic.version = 14 : i64} {
  func.func @gk(%arg0: i32, %arg1: i32, %arg2: memref<50000x128xf32, #tpu.memory_space<hbm>>, %arg3: memref<10240xi32, #tpu.memory_space<hbm>>, %arg4: memref<10240x128xf32, #tpu.memory_space<hbm>>, %arg5: memref<64xi32, #tpu.memory_space<vmem>>, %arg6: memref<64x128xf32, #tpu.memory_space<vmem>>, %arg7: memref<!tpu.dma_semaphore, #tpu.memory_space<semaphore_mem>>) attributes {dimension_semantics = [#tpu.dimension_semantics<core_parallel>, #tpu.dimension_semantics<subcore_parallel>], iteration_bounds = array<i64: 2, 16>, scalar_prefetch = 0 : i64, scratch_operands = 3 : i64, tpu.core_type = #tpu.core_type<sc_vector_subcore>, window_params = [{transform_indices = #map}, {transform_indices = #map1}, {transform_indices = #map}]} {
    %mul3A = arith.constant 2 : i32
    %mul3A_0 = arith.muli %arg1, %mul3A : i32
    %add3A = arith.addi %mul3A_0, %arg0 : i32
    %mul3A_1 = arith.constant 320 : i32
    %mul3A_2 = arith.muli %add3A, %mul3A_1 : i32
    %add3A_3 = arith.constant 0 : i32
    %add3A_4 = arith.addi %mul3A_2, %add3A_3 : i32
    "tpu.region"() ({
      %run_scoped3A = tpu.sem_alloc : memref<!tpu.dma_semaphore, #tpu.memory_space<semaphore_mem>>
      %dma_start3A_41 = tpu.memref_slice %arg3[%add3A_4] : memref<10240xi32, #tpu.memory_space<hbm>> -> memref<64xi32, #tpu.memory_space<hbm>>
      %dma_start3A_42 = tpu.memref_slice %arg3[%add3A_4] : memref<10240xi32, #tpu.memory_space<hbm>> -> memref<64xi32, #tpu.memory_space<hbm>>
      tpu.enqueue_dma source(%dma_start3A_42 : memref<64xi32, #tpu.memory_space<hbm>>) target(%arg5 : memref<64xi32, #tpu.memory_space<vmem>>) target_semaphore(%run_scoped3A : memref<!tpu.dma_semaphore, #tpu.memory_space<semaphore_mem>>)
      %dma_wait3A_43 = tpu.memref_slice %arg3[%add3A_4] : memref<10240xi32, #tpu.memory_space<hbm>> -> memref<64xi32, #tpu.memory_space<hbm>>
      %dma_wait3A_44 = tpu.memref_slice %arg3[%add3A_4] : memref<10240xi32, #tpu.memory_space<hbm>> -> memref<64xi32, #tpu.memory_space<hbm>>
      tpu.wait_dma2 semaphore(%run_scoped3A : memref<!tpu.dma_semaphore, #tpu.memory_space<semaphore_mem>>) src(%dma_wait3A_44 : memref<64xi32, #tpu.memory_space<hbm>>) dst(%arg5 : memref<64xi32, #tpu.memory_space<vmem>>)
      tpu.yield
    }) : () -> ()
    %dma_start3A = arith.constant 0 : i32
    %dma_start3A_5 = arith.constant 0 : i32
    %dma_start3A_6 = tpu.memref_slice %arg2[%dma_start3A, %dma_start3A_5] : memref<50000x128xf32, #tpu.memory_space<hbm>> -> memref<50000x128xf32, #tpu.memory_space<hbm>>
    tpu.enqueue_indirect_dma source(%dma_start3A_6 : memref<50000x128xf32, #tpu.memory_space<hbm>>) target(%arg6 : memref<64x128xf32, #tpu.memory_space<vmem>>) offsets(%arg5 : memref<64xi32, #tpu.memory_space<vmem>>) semaphore(%arg7 : memref<!tpu.dma_semaphore, #tpu.memory_space<semaphore_mem>>)
    %dma_wait3A = arith.constant 0 : i32
    %dma_wait3A_7 = arith.constant 0 : i32
    %dma_wait3A_8 = tpu.memref_slice %arg2[%dma_wait3A, %dma_wait3A_7] : memref<50000x128xf32, #tpu.memory_space<hbm>> -> memref<50000x128xf32, #tpu.memory_space<hbm>>
    tpu.wait_indirect_dma semaphore(%arg7 : memref<!tpu.dma_semaphore, #tpu.memory_space<semaphore_mem>>) src(%dma_wait3A_8 : memref<50000x128xf32, #tpu.memory_space<hbm>>) dst(%arg6 : memref<64x128xf32, #tpu.memory_space<vmem>>)
    "tpu.region"() ({
      %run_scoped3A = tpu.sem_alloc : memref<!tpu.dma_semaphore, #tpu.memory_space<semaphore_mem>>
      %dma_start3A_41 = arith.constant 0 : i32
      %dma_start3A_42 = tpu.memref_slice %arg4[%add3A_4, %dma_start3A_41] : memref<10240x128xf32, #tpu.memory_space<hbm>> -> memref<64x128xf32, #tpu.memory_space<hbm>>
      %dma_start3A_43 = arith.constant 0 : i32
      %dma_start3A_44 = tpu.memref_slice %arg4[%add3A_4, %dma_start3A_43] : memref<10240x128xf32, #tpu.memory_space<hbm>> -> memref<64x128xf32, #tpu.memory_space<hbm>>
      tpu.enqueue_dma source(%arg6 : memref<64x128xf32, #tpu.memory_space<vmem>>) target(%dma_start3A_44 : memref<64x128xf32, #tpu.memory_space<hbm>>) target_semaphore(%run_scoped3A : memref<!tpu.dma_semaphore, #tpu.memory_space<semaphore_mem>>)
      %dma_wait3A_45 = arith.constant 0 : i32
      %dma_wait3A_46 = tpu.memref_slice %arg4[%add3A_4, %dma_wait3A_45] : memref<10240x128xf32, #tpu.memory_space<hbm>> -> memref<64x128xf32, #tpu.memory_space<hbm>>
      %dma_wait3A_47 = arith.constant 0 : i32
      %dma_wait3A_48 = tpu.memref_slice %arg4[%add3A_4, %dma_wait3A_47] : memref<10240x128xf32, #tpu.memory_space<hbm>> -> memref<64x128xf32, #tpu.memory_space<hbm>>
      tpu.wait_dma2 semaphore(%run_scoped3A : memref<!tpu.dma_semaphore, #tpu.memory_space<semaphore_mem>>) src(%arg6 : memref<64x128xf32, #tpu.memory_space<vmem>>) dst(%dma_wait3A_48 : memref<64x128xf32, #tpu.memory_space<hbm>>)
      tpu.yield
    }) : () -> ()
    %add3A_9 = arith.constant 64 : i32
    %add3A_10 = arith.addi %mul3A_2, %add3A_9 : i32
    "tpu.region"() ({
      %run_scoped3A = tpu.sem_alloc : memref<!tpu.dma_semaphore, #tpu.memory_space<semaphore_mem>>
      %dma_start3A_41 = tpu.memref_slice %arg3[%add3A_10] : memref<10240xi32, #tpu.memory_space<hbm>> -> memref<64xi32, #tpu.memory_space<hbm>>
      %dma_start3A_42 = tpu.memref_slice %arg3[%add3A_10] : memref<10240xi32, #tpu.memory_space<hbm>> -> memref<64xi32, #tpu.memory_space<hbm>>
      tpu.enqueue_dma source(%dma_start3A_42 : memref<64xi32, #tpu.memory_space<hbm>>) target(%arg5 : memref<64xi32, #tpu.memory_space<vmem>>) target_semaphore(%run_scoped3A : memref<!tpu.dma_semaphore, #tpu.memory_space<semaphore_mem>>)
      %dma_wait3A_43 = tpu.memref_slice %arg3[%add3A_10] : memref<10240xi32, #tpu.memory_space<hbm>> -> memref<64xi32, #tpu.memory_space<hbm>>
      %dma_wait3A_44 = tpu.memref_slice %arg3[%add3A_10] : memref<10240xi32, #tpu.memory_space<hbm>> -> memref<64xi32, #tpu.memory_space<hbm>>
      tpu.wait_dma2 semaphore(%run_scoped3A : memref<!tpu.dma_semaphore, #tpu.memory_space<semaphore_mem>>) src(%dma_wait3A_44 : memref<64xi32, #tpu.memory_space<hbm>>) dst(%arg5 : memref<64xi32, #tpu.memory_space<vmem>>)
      tpu.yield
    }) : () -> ()
    %dma_start3A_11 = arith.constant 0 : i32
    %dma_start3A_12 = arith.constant 0 : i32
    %dma_start3A_13 = tpu.memref_slice %arg2[%dma_start3A_11, %dma_start3A_12] : memref<50000x128xf32, #tpu.memory_space<hbm>> -> memref<50000x128xf32, #tpu.memory_space<hbm>>
    tpu.enqueue_indirect_dma source(%dma_start3A_13 : memref<50000x128xf32, #tpu.memory_space<hbm>>) target(%arg6 : memref<64x128xf32, #tpu.memory_space<vmem>>) offsets(%arg5 : memref<64xi32, #tpu.memory_space<vmem>>) semaphore(%arg7 : memref<!tpu.dma_semaphore, #tpu.memory_space<semaphore_mem>>)
    %dma_wait3A_14 = arith.constant 0 : i32
    %dma_wait3A_15 = arith.constant 0 : i32
    %dma_wait3A_16 = tpu.memref_slice %arg2[%dma_wait3A_14, %dma_wait3A_15] : memref<50000x128xf32, #tpu.memory_space<hbm>> -> memref<50000x128xf32, #tpu.memory_space<hbm>>
    tpu.wait_indirect_dma semaphore(%arg7 : memref<!tpu.dma_semaphore, #tpu.memory_space<semaphore_mem>>) src(%dma_wait3A_16 : memref<50000x128xf32, #tpu.memory_space<hbm>>) dst(%arg6 : memref<64x128xf32, #tpu.memory_space<vmem>>)
    "tpu.region"() ({
      %run_scoped3A = tpu.sem_alloc : memref<!tpu.dma_semaphore, #tpu.memory_space<semaphore_mem>>
      %dma_start3A_41 = arith.constant 0 : i32
      %dma_start3A_42 = tpu.memref_slice %arg4[%add3A_10, %dma_start3A_41] : memref<10240x128xf32, #tpu.memory_space<hbm>> -> memref<64x128xf32, #tpu.memory_space<hbm>>
      %dma_start3A_43 = arith.constant 0 : i32
      %dma_start3A_44 = tpu.memref_slice %arg4[%add3A_10, %dma_start3A_43] : memref<10240x128xf32, #tpu.memory_space<hbm>> -> memref<64x128xf32, #tpu.memory_space<hbm>>
      tpu.enqueue_dma source(%arg6 : memref<64x128xf32, #tpu.memory_space<vmem>>) target(%dma_start3A_44 : memref<64x128xf32, #tpu.memory_space<hbm>>) target_semaphore(%run_scoped3A : memref<!tpu.dma_semaphore, #tpu.memory_space<semaphore_mem>>)
      %dma_wait3A_45 = arith.constant 0 : i32
      %dma_wait3A_46 = tpu.memref_slice %arg4[%add3A_10, %dma_wait3A_45] : memref<10240x128xf32, #tpu.memory_space<hbm>> -> memref<64x128xf32, #tpu.memory_space<hbm>>
      %dma_wait3A_47 = arith.constant 0 : i32
      %dma_wait3A_48 = tpu.memref_slice %arg4[%add3A_10, %dma_wait3A_47] : memref<10240x128xf32, #tpu.memory_space<hbm>> -> memref<64x128xf32, #tpu.memory_space<hbm>>
      tpu.wait_dma2 semaphore(%run_scoped3A : memref<!tpu.dma_semaphore, #tpu.memory_space<semaphore_mem>>) src(%arg6 : memref<64x128xf32, #tpu.memory_space<vmem>>) dst(%dma_wait3A_48 : memref<64x128xf32, #tpu.memory_space<hbm>>)
      tpu.yield
    }) : () -> ()
    %add3A_17 = arith.constant 128 : i32
    %add3A_18 = arith.addi %mul3A_2, %add3A_17 : i32
    "tpu.region"() ({
      %run_scoped3A = tpu.sem_alloc : memref<!tpu.dma_semaphore, #tpu.memory_space<semaphore_mem>>
      %dma_start3A_41 = tpu.memref_slice %arg3[%add3A_18] : memref<10240xi32, #tpu.memory_space<hbm>> -> memref<64xi32, #tpu.memory_space<hbm>>
      %dma_start3A_42 = tpu.memref_slice %arg3[%add3A_18] : memref<10240xi32, #tpu.memory_space<hbm>> -> memref<64xi32, #tpu.memory_space<hbm>>
      tpu.enqueue_dma source(%dma_start3A_42 : memref<64xi32, #tpu.memory_space<hbm>>) target(%arg5 : memref<64xi32, #tpu.memory_space<vmem>>) target_semaphore(%run_scoped3A : memref<!tpu.dma_semaphore, #tpu.memory_space<semaphore_mem>>)
      %dma_wait3A_43 = tpu.memref_slice %arg3[%add3A_18] : memref<10240xi32, #tpu.memory_space<hbm>> -> memref<64xi32, #tpu.memory_space<hbm>>
      %dma_wait3A_44 = tpu.memref_slice %arg3[%add3A_18] : memref<10240xi32, #tpu.memory_space<hbm>> -> memref<64xi32, #tpu.memory_space<hbm>>
      tpu.wait_dma2 semaphore(%run_scoped3A : memref<!tpu.dma_semaphore, #tpu.memory_space<semaphore_mem>>) src(%dma_wait3A_44 : memref<64xi32, #tpu.memory_space<hbm>>) dst(%arg5 : memref<64xi32, #tpu.memory_space<vmem>>)
      tpu.yield
    }) : () -> ()
    %dma_start3A_19 = arith.constant 0 : i32
    %dma_start3A_20 = arith.constant 0 : i32
    %dma_start3A_21 = tpu.memref_slice %arg2[%dma_start3A_19, %dma_start3A_20] : memref<50000x128xf32, #tpu.memory_space<hbm>> -> memref<50000x128xf32, #tpu.memory_space<hbm>>
    tpu.enqueue_indirect_dma source(%dma_start3A_21 : memref<50000x128xf32, #tpu.memory_space<hbm>>) target(%arg6 : memref<64x128xf32, #tpu.memory_space<vmem>>) offsets(%arg5 : memref<64xi32, #tpu.memory_space<vmem>>) semaphore(%arg7 : memref<!tpu.dma_semaphore, #tpu.memory_space<semaphore_mem>>)
    %dma_wait3A_22 = arith.constant 0 : i32
    %dma_wait3A_23 = arith.constant 0 : i32
    %dma_wait3A_24 = tpu.memref_slice %arg2[%dma_wait3A_22, %dma_wait3A_23] : memref<50000x128xf32, #tpu.memory_space<hbm>> -> memref<50000x128xf32, #tpu.memory_space<hbm>>
    tpu.wait_indirect_dma semaphore(%arg7 : memref<!tpu.dma_semaphore, #tpu.memory_space<semaphore_mem>>) src(%dma_wait3A_24 : memref<50000x128xf32, #tpu.memory_space<hbm>>) dst(%arg6 : memref<64x128xf32, #tpu.memory_space<vmem>>)
    "tpu.region"() ({
      %run_scoped3A = tpu.sem_alloc : memref<!tpu.dma_semaphore, #tpu.memory_space<semaphore_mem>>
      %dma_start3A_41 = arith.constant 0 : i32
      %dma_start3A_42 = tpu.memref_slice %arg4[%add3A_18, %dma_start3A_41] : memref<10240x128xf32, #tpu.memory_space<hbm>> -> memref<64x128xf32, #tpu.memory_space<hbm>>
      %dma_start3A_43 = arith.constant 0 : i32
      %dma_start3A_44 = tpu.memref_slice %arg4[%add3A_18, %dma_start3A_43] : memref<10240x128xf32, #tpu.memory_space<hbm>> -> memref<64x128xf32, #tpu.memory_space<hbm>>
      tpu.enqueue_dma source(%arg6 : memref<64x128xf32, #tpu.memory_space<vmem>>) target(%dma_start3A_44 : memref<64x128xf32, #tpu.memory_space<hbm>>) target_semaphore(%run_scoped3A : memref<!tpu.dma_semaphore, #tpu.memory_space<semaphore_mem>>)
      %dma_wait3A_45 = arith.constant 0 : i32
      %dma_wait3A_46 = tpu.memref_slice %arg4[%add3A_18, %dma_wait3A_45] : memref<10240x128xf32, #tpu.memory_space<hbm>> -> memref<64x128xf32, #tpu.memory_space<hbm>>
      %dma_wait3A_47 = arith.constant 0 : i32
      %dma_wait3A_48 = tpu.memref_slice %arg4[%add3A_18, %dma_wait3A_47] : memref<10240x128xf32, #tpu.memory_space<hbm>> -> memref<64x128xf32, #tpu.memory_space<hbm>>
      tpu.wait_dma2 semaphore(%run_scoped3A : memref<!tpu.dma_semaphore, #tpu.memory_space<semaphore_mem>>) src(%arg6 : memref<64x128xf32, #tpu.memory_space<vmem>>) dst(%dma_wait3A_48 : memref<64x128xf32, #tpu.memory_space<hbm>>)
      tpu.yield
    }) : () -> ()
    %add3A_25 = arith.constant 192 : i32
    %add3A_26 = arith.addi %mul3A_2, %add3A_25 : i32
    "tpu.region"() ({
      %run_scoped3A = tpu.sem_alloc : memref<!tpu.dma_semaphore, #tpu.memory_space<semaphore_mem>>
      %dma_start3A_41 = tpu.memref_slice %arg3[%add3A_26] : memref<10240xi32, #tpu.memory_space<hbm>> -> memref<64xi32, #tpu.memory_space<hbm>>
      %dma_start3A_42 = tpu.memref_slice %arg3[%add3A_26] : memref<10240xi32, #tpu.memory_space<hbm>> -> memref<64xi32, #tpu.memory_space<hbm>>
      tpu.enqueue_dma source(%dma_start3A_42 : memref<64xi32, #tpu.memory_space<hbm>>) target(%arg5 : memref<64xi32, #tpu.memory_space<vmem>>) target_semaphore(%run_scoped3A : memref<!tpu.dma_semaphore, #tpu.memory_space<semaphore_mem>>)
      %dma_wait3A_43 = tpu.memref_slice %arg3[%add3A_26] : memref<10240xi32, #tpu.memory_space<hbm>> -> memref<64xi32, #tpu.memory_space<hbm>>
      %dma_wait3A_44 = tpu.memref_slice %arg3[%add3A_26] : memref<10240xi32, #tpu.memory_space<hbm>> -> memref<64xi32, #tpu.memory_space<hbm>>
      tpu.wait_dma2 semaphore(%run_scoped3A : memref<!tpu.dma_semaphore, #tpu.memory_space<semaphore_mem>>) src(%dma_wait3A_44 : memref<64xi32, #tpu.memory_space<hbm>>) dst(%arg5 : memref<64xi32, #tpu.memory_space<vmem>>)
      tpu.yield
    }) : () -> ()
    %dma_start3A_27 = arith.constant 0 : i32
    %dma_start3A_28 = arith.constant 0 : i32
    %dma_start3A_29 = tpu.memref_slice %arg2[%dma_start3A_27, %dma_start3A_28] : memref<50000x128xf32, #tpu.memory_space<hbm>> -> memref<50000x128xf32, #tpu.memory_space<hbm>>
    tpu.enqueue_indirect_dma source(%dma_start3A_29 : memref<50000x128xf32, #tpu.memory_space<hbm>>) target(%arg6 : memref<64x128xf32, #tpu.memory_space<vmem>>) offsets(%arg5 : memref<64xi32, #tpu.memory_space<vmem>>) semaphore(%arg7 : memref<!tpu.dma_semaphore, #tpu.memory_space<semaphore_mem>>)
    %dma_wait3A_30 = arith.constant 0 : i32
    %dma_wait3A_31 = arith.constant 0 : i32
    %dma_wait3A_32 = tpu.memref_slice %arg2[%dma_wait3A_30, %dma_wait3A_31] : memref<50000x128xf32, #tpu.memory_space<hbm>> -> memref<50000x128xf32, #tpu.memory_space<hbm>>
    tpu.wait_indirect_dma semaphore(%arg7 : memref<!tpu.dma_semaphore, #tpu.memory_space<semaphore_mem>>) src(%dma_wait3A_32 : memref<50000x128xf32, #tpu.memory_space<hbm>>) dst(%arg6 : memref<64x128xf32, #tpu.memory_space<vmem>>)
    "tpu.region"() ({
      %run_scoped3A = tpu.sem_alloc : memref<!tpu.dma_semaphore, #tpu.memory_space<semaphore_mem>>
      %dma_start3A_41 = arith.constant 0 : i32
      %dma_start3A_42 = tpu.memref_slice %arg4[%add3A_26, %dma_start3A_41] : memref<10240x128xf32, #tpu.memory_space<hbm>> -> memref<64x128xf32, #tpu.memory_space<hbm>>
      %dma_start3A_43 = arith.constant 0 : i32
      %dma_start3A_44 = tpu.memref_slice %arg4[%add3A_26, %dma_start3A_43] : memref<10240x128xf32, #tpu.memory_space<hbm>> -> memref<64x128xf32, #tpu.memory_space<hbm>>
      tpu.enqueue_dma source(%arg6 : memref<64x128xf32, #tpu.memory_space<vmem>>) target(%dma_start3A_44 : memref<64x128xf32, #tpu.memory_space<hbm>>) target_semaphore(%run_scoped3A : memref<!tpu.dma_semaphore, #tpu.memory_space<semaphore_mem>>)
      %dma_wait3A_45 = arith.constant 0 : i32
      %dma_wait3A_46 = tpu.memref_slice %arg4[%add3A_26, %dma_wait3A_45] : memref<10240x128xf32, #tpu.memory_space<hbm>> -> memref<64x128xf32, #tpu.memory_space<hbm>>
      %dma_wait3A_47 = arith.constant 0 : i32
      %dma_wait3A_48 = tpu.memref_slice %arg4[%add3A_26, %dma_wait3A_47] : memref<10240x128xf32, #tpu.memory_space<hbm>> -> memref<64x128xf32, #tpu.memory_space<hbm>>
      tpu.wait_dma2 semaphore(%run_scoped3A : memref<!tpu.dma_semaphore, #tpu.memory_space<semaphore_mem>>) src(%arg6 : memref<64x128xf32, #tpu.memory_space<vmem>>) dst(%dma_wait3A_48 : memref<64x128xf32, #tpu.memory_space<hbm>>)
      tpu.yield
    }) : () -> ()
    %add3A_33 = arith.constant 256 : i32
    %add3A_34 = arith.addi %mul3A_2, %add3A_33 : i32
    "tpu.region"() ({
      %run_scoped3A = tpu.sem_alloc : memref<!tpu.dma_semaphore, #tpu.memory_space<semaphore_mem>>
      %dma_start3A_41 = tpu.memref_slice %arg3[%add3A_34] : memref<10240xi32, #tpu.memory_space<hbm>> -> memref<64xi32, #tpu.memory_space<hbm>>
      %dma_start3A_42 = tpu.memref_slice %arg3[%add3A_34] : memref<10240xi32, #tpu.memory_space<hbm>> -> memref<64xi32, #tpu.memory_space<hbm>>
      tpu.enqueue_dma source(%dma_start3A_42 : memref<64xi32, #tpu.memory_space<hbm>>) target(%arg5 : memref<64xi32, #tpu.memory_space<vmem>>) target_semaphore(%run_scoped3A : memref<!tpu.dma_semaphore, #tpu.memory_space<semaphore_mem>>)
      %dma_wait3A_43 = tpu.memref_slice %arg3[%add3A_34] : memref<10240xi32, #tpu.memory_space<hbm>> -> memref<64xi32, #tpu.memory_space<hbm>>
      %dma_wait3A_44 = tpu.memref_slice %arg3[%add3A_34] : memref<10240xi32, #tpu.memory_space<hbm>> -> memref<64xi32, #tpu.memory_space<hbm>>
      tpu.wait_dma2 semaphore(%run_scoped3A : memref<!tpu.dma_semaphore, #tpu.memory_space<semaphore_mem>>) src(%dma_wait3A_44 : memref<64xi32, #tpu.memory_space<hbm>>) dst(%arg5 : memref<64xi32, #tpu.memory_space<vmem>>)
      tpu.yield
    }) : () -> ()
    %dma_start3A_35 = arith.constant 0 : i32
    %dma_start3A_36 = arith.constant 0 : i32
    %dma_start3A_37 = tpu.memref_slice %arg2[%dma_start3A_35, %dma_start3A_36] : memref<50000x128xf32, #tpu.memory_space<hbm>> -> memref<50000x128xf32, #tpu.memory_space<hbm>>
    tpu.enqueue_indirect_dma source(%dma_start3A_37 : memref<50000x128xf32, #tpu.memory_space<hbm>>) target(%arg6 : memref<64x128xf32, #tpu.memory_space<vmem>>) offsets(%arg5 : memref<64xi32, #tpu.memory_space<vmem>>) semaphore(%arg7 : memref<!tpu.dma_semaphore, #tpu.memory_space<semaphore_mem>>)
    %dma_wait3A_38 = arith.constant 0 : i32
    %dma_wait3A_39 = arith.constant 0 : i32
    %dma_wait3A_40 = tpu.memref_slice %arg2[%dma_wait3A_38, %dma_wait3A_39] : memref<50000x128xf32, #tpu.memory_space<hbm>> -> memref<50000x128xf32, #tpu.memory_space<hbm>>
    tpu.wait_indirect_dma semaphore(%arg7 : memref<!tpu.dma_semaphore, #tpu.memory_space<semaphore_mem>>) src(%dma_wait3A_40 : memref<50000x128xf32, #tpu.memory_space<hbm>>) dst(%arg6 : memref<64x128xf32, #tpu.memory_space<vmem>>)
    "tpu.region"() ({
      %run_scoped3A = tpu.sem_alloc : memref<!tpu.dma_semaphore, #tpu.memory_space<semaphore_mem>>
      %dma_start3A_41 = arith.constant 0 : i32
      %dma_start3A_42 = tpu.memref_slice %arg4[%add3A_34, %dma_start3A_41] : memref<10240x128xf32, #tpu.memory_space<hbm>> -> memref<64x128xf32, #tpu.memory_space<hbm>>
      %dma_start3A_43 = arith.constant 0 : i32
      %dma_start3A_44 = tpu.memref_slice %arg4[%add3A_34, %dma_start3A_43] : memref<10240x128xf32, #tpu.memory_space<hbm>> -> memref<64x128xf32, #tpu.memory_space<hbm>>
      tpu.enqueue_dma source(%arg6 : memref<64x128xf32, #tpu.memory_space<vmem>>) target(%dma_start3A_44 : memref<64x128xf32, #tpu.memory_space<hbm>>) target_semaphore(%run_scoped3A : memref<!tpu.dma_semaphore, #tpu.memory_space<semaphore_mem>>)
      %dma_wait3A_45 = arith.constant 0 : i32
      %dma_wait3A_46 = tpu.memref_slice %arg4[%add3A_34, %dma_wait3A_45] : memref<10240x128xf32, #tpu.memory_space<hbm>> -> memref<64x128xf32, #tpu.memory_space<hbm>>
      %dma_wait3A_47 = arith.constant 0 : i32
      %dma_wait3A_48 = tpu.memref_slice %arg4[%add3A_34, %dma_wait3A_47] : memref<10240x128xf32, #tpu.memory_space<hbm>> -> memref<64x128xf32, #tpu.memory_space<hbm>>
      tpu.wait_dma2 semaphore(%run_scoped3A : memref<!tpu.dma_semaphore, #tpu.memory_space<semaphore_mem>>) src(%arg6 : memref<64x128xf32, #tpu.memory_space<vmem>>) dst(%dma_wait3A_48 : memref<64x128xf32, #tpu.memory_space<hbm>>)
      tpu.yield
    }) : () -> ()
    return
  }
}

</mosaic_0001>

<sc_bundles>
// kernel: _sc_gather.3.cloned.1.call-start
scs
__scs_entry_jumppad:
0x0: {  	(pc) =	sbr.rel $0x88, $3  }
0x1: {  	(tag) =	ssettag $0x0;
	lr =	simm.s32 $0x1  }
0x2: {  	[smem:$0x3F9F] =	sst lr;
	_ =	strace $0xD0000000  }
0x3: {  	_ = 	snop  }
0x4: {  	_ = 	snop  }
0x5: {  	_ = 	snop  }
0x6: {  	_ = 	snop  }
0x7: {  	_ = 	snop  }
__scs_overlays_trampoline_lowered:
0x8: {  	[smem:$0x3FAE] =	sst s0  }
0x9: {  	[smem:$0x3FAF] =	sst s1  }
0xa: {  	[smem:$0x3FB0] =	sst s2  }
0xb: {  	[smem:$0x3FB1] =	sst s3  }
0xc: {  	[smem:$0x3FB2] =	sst s4  }
0xd: {  	[smem:$0x3FB3] =	sst s5  }
0xe: {  	[smem:$0x3FB4] =	sst s6  }
0xf: {  	[smem:$0x3FB5] =	sst s7  }
0x10: {  	[smem:$0x3FB6] =	sst s8  }
0x11: {  	[smem:$0x3FB7] =	sst s9;
	s0 =	simm.s32 @!p0 $0x0  }
0x12: {  	s1 =	sld [smem:$0x3F9D];
	s0 =	simm.s32 @p0 $0x1  }
0x13: {  	[smem:$0x3FB8] =	sst s0;
	s0 =	simm.s32 @!p1 $0x0  }
0x14: {  	s2 =	sld [smem:$0x3F9C];
	s0 =	simm.s32 @p1 $0x1  }
0x15: {  	[smem:$0x3FB9] =	sst s0;
	s0 =	simm.s32 @!p2 $0x0  }
0x16: {  	s3 =	sld [smem:$0x3FDB];
	s0 =	simm.s32 @p2 $0x1  }
0x17: {  	s4 =	simm.s32 $0x1BF5;
	[smem:$0x3FBB] =	sst s0  }
0x18: {  	s0 =	sld [smem:$0x3F9E];
	_ =	swait.ge [sflag:s4], $0x0  }
0x19: {  	s7 =	sld [smem:$0x3F9F]  }
0x1a: {  	s8 =	sadd.s32 $0xFFFFE003, lr  }
0x1b: {  	s9 =	sadd.s32 $0xFFFFFEF7, lr;
	s5 =	simm.s32 $0xFFFFFFFF;
	p2 =	slt.u32 s8, $0xFFFFF086  }
0x1c: {  	p1 =	slt.u32 s9, $0xF7A;
	s5 =	simm.s32 @!p2 $0x0  }
0x1d: {  	s5 =	simm.s32 @p1 $0x1;
	p0 =	seq.s32 s7, s2  }
0x1e: {  	s7 =	smul.u32 @!p0 $0xF7A, s2;
	p2 =	seq.s32 @!p0 s5, $0x0  }
0x1f: {  	s9 =	smul.u32 $0xF7A, s1;
	s8 =	simm.s32 @!p0 $0x1BF5;
	p2 =	por !p2, p0  }
0x20: {  	[sflag:s8] =	ssyncset.s32 @!p0 $0xFFFFF086;
	s6 =	sadd.s32 @!p0 s3, s7;
	s7 =	simm.s32 @!p0 $0x108  }
0x21: {  	s3 =	sadd.s32 s3, s9;
	s6 =	sadd.s32 @!p0 $0x88, s6;
	s7 =	simm.s32 @p2 $0x1082  }
0x22: {  	[simem:s7], [sflag:s8] =	dma.local @!p0 [hbm:s6], $0xF7A  }
0x23: {  	s9 =	sor.u32 $0xD0000000, s2;
	s6 =	simm.s32 $0x108;
	_ =	swait.ge @!p0 [sflag:s8], $0x0  }
0x24: {  	s3 =	sadd.s32 $0x88, s3;
	s6 =	simm.s32 @!p1 $0x1082;
	[sflag:s4] =	ssyncset.s32 $0xFFFFF086  }
0x25: {  	[simem:s6], [sflag:s4] =	dma.local [hbm:s3], $0xF7A  }
0x26: {  	[smem:$0x3F9F] =	sst s1;
	(tag) =	ssettag s2;
	_ =	strace s9  }
0x27: {  	s1 =	sld [smem:$0x3FAF]  }
0x28: {  	s2 =	sld [smem:$0x3FB0]  }
0x29: {  	s4 =	sld [smem:$0x3FB2]  }
0x2a: {  	p0 =	seq.s32 s5, $0x0;
	s5 =	sld [smem:$0x3FB3]  }
0x2b: {  	s6 =	sld [smem:$0x3FB4]  }
0x2c: {  	s7 =	sld [smem:$0x3FB5]  }
0x2d: {  	s3 =	simm.s32 $0x108;
	s8 =	sld [smem:$0x3FB6]  }
0x2e: {  	s3 =	simm.s32 @!p0 $0x1082;
	s9 =	sld [smem:$0x3FB7]  }
0x2f: {  	lr =	sadd.s32 s0, s3;
	s0 =	sld [smem:$0x3FAE]  }
0x30: {  	s3 =	sld [smem:$0x3FB1]  }
0x31: {  	[smem:$0x3FBA] =	sst s10  }
0x32: {  	s10 =	sld [smem:$0x3FB8];
	_ =	sdelay $0x3  }
0x33: {  	p0 =	seq.s32 s10, $0x1;
	s10 =	sld [smem:$0x3FBA];
	_ =	sdelay $0x3  }
0x34: {  	[smem:$0x3FBA] =	sst s10  }
0x35: {  	s10 =	sld [smem:$0x3FB9];
	_ =	sdelay $0x3  }
0x36: {  	p1 =	seq.s32 s10, $0x1;
	s10 =	sld [smem:$0x3FBA];
	_ =	sdelay $0x3  }
0x37: {  	[smem:$0x3FBA] =	sst s10  }
0x38: {  	s10 =	sld [smem:$0x3FBB]  }
0x39: {  	_ = 	snop;
	(pc) =	sbr.ind lr, $3  }
0x3a: {  	_ = 	snop  }
0x3b: {  	_ = 	snop  }
0x3c: {  	p2 =	seq.s32 s10, $0x1;
	s10 =	sld [smem:$0x3FBA]  }
0x3d: {  	_ =	shalt  }
0x3e: {  	_ =	shalt  }
0x3f: {  	_ =	shalt  }
0x40: {  	_ =	shalt  }
0x41: {  	_ =	shalt  }
0x42: {  	_ =	shalt  }
0x43: {  	_ =	shalt  }
0x44: {  	_ =	shalt  }
0x45: {  	_ =	shalt  }
0x46: {  	_ =	shalt  }
0x47: {  	_ =	shalt  }
0x48: {  	_ =	shalt  }
0x49: {  	_ =	shalt  }
0x4a: {  	_ =	shalt  }
0x4b: {  	_ =	shalt  }
0x4c: {  	_ =	shalt  }
0x4d: {  	_ =	shalt  }
0x4e: {  	_ =	shalt  }
0x4f: {  	_ =	shalt  }
0x50: {  	_ =	shalt  }
0x51: {  	_ =	shalt  }
0x52: {  	_ =	shalt  }
0x53: {  	_ =	shalt  }
0x54: {  	_ =	shalt  }
0x55: {  	_ =	shalt  }
0x56: {  	_ =	shalt  }
0x57: {  	_ =	shalt  }
0x58: {  	_ =	shalt  }
0x59: {  	_ =	shalt  }
0x5a: {  	_ =	shalt  }
0x5b: {  	_ =	shalt  }
0x5c: {  	_ =	shalt  }
0x5d: {  	_ =	shalt  }
0x5e: {  	_ =	shalt  }
0x5f: {  	_ =	shalt  }
0x60: {  	_ =	shalt  }
0x61: {  	_ =	shalt  }
0x62: {  	_ =	shalt  }
0x63: {  	_ =	shalt  }
0x64: {  	_ =	shalt  }
0x65: {  	_ =	shalt  }
0x66: {  	_ =	shalt  }
0x67: {  	_ =	shalt  }
0x68: {  	_ =	shalt  }
0x69: {  	_ =	shalt  }
0x6a: {  	_ =	shalt  }
0x6b: {  	_ =	shalt  }
0x6c: {  	_ =	shalt  }
0x6d: {  	_ =	shalt  }
0x6e: {  	_ =	shalt  }
0x6f: {  	_ =	shalt  }
0x70: {  	_ =	shalt  }
0x71: {  	_ =	shalt  }
0x72: {  	_ =	shalt  }
0x73: {  	_ =	shalt  }
0x74: {  	_ =	shalt  }
0x75: {  	_ =	shalt  }
0x76: {  	_ =	shalt  }
0x77: {  	_ =	shalt  }
0x78: {  	_ =	shalt  }
0x79: {  	_ =	shalt  }
0x7a: {  	_ =	shalt  }
0x7b: {  	_ =	shalt  }
0x7c: {  	_ =	shalt  }
0x7d: {  	_ =	shalt  }
0x7e: {  	_ =	shalt  }
0x7f: {  	_ =	shalt  }
0x80: {  	_ =	shalt  }
0x81: {  	_ =	shalt  }
0x82: {  	_ =	shalt  }
0x83: {  	_ =	shalt  }
0x84: {  	_ =	shalt  }
0x85: {  	_ =	shalt  }
0x86: {  	_ =	shalt  }
0x87: {  	_ =	shalt  }
.Lfunc_end0:
.L_simem_size_0:
called_computation_lowered:
.L_overlay_start_0:
0x88: {  	s2 =	sld [smem:$0x3FD9]  }
0x89: {  	s3 =	sld [smem:$0x3FFE];
	_ =	sdelay $0x1  }
0x8a: {  	s1 =	srdreg.scid  }
0x8b: {  	s0 =	sand.u32 $0x1, s1  }
0x8c: {  	s18 =	sshll.u32 s0, $0xA;
	s2 =	sadd.s32 s3, s2  }
0x8d: {  	s2 =	sadd.s32 s2, s18  }
0x8e: {  	[smem:$0x3FC6] =	sst s2  }
0x8f: {  	_ = 	snop  }
0x90: {  	s2 =	sld [smem:$0x3FC9]  }
0x91: {  	s19 =	sld [smem:$0x3FC8]  }
0x92: {  	s4 =	sld [smem:$0x3FD0];
	(tm) =	ssettm $0x1  }
0x93: {  	s5 =	sld [smem:$0x3FFB];
	_ =	sdelay $0x3  }
0x94: {  	_ =	strace s5  }
0x95: {  	s5 =	sld [smem:$0x3FFC];
	_ =	sdelay $0x3  }
0x96: {  	_ =	strace s5  }
0x97: {  	s5 =	sld [smem:$0x3FFD];
	_ =	sdelay $0x3  }
0x98: {  	_ =	strace s5  }
0x99: {  	_ =	strace $0x8FFFFFFF  }
0x9a: {  	s20 =	sld [smem:$0x3FDB];
	_ =	sdelay $0x1  }
0x9b: {  	s6 =	simm.s32 $_scs_section_size  }
0x9c: {  	s7 =	simm.s32 $_size__tile_overlayer_lowered;
	s8 =	simm.s32 $_tile_overlayer_lowered  }
0x9d: {  	s23 =	simm.s32 $0x1BFF;
	s22 =	sshll.u32 s8, $0x1;
	s5 =	sadd.s32 s6, s20  }
0x9e: {  	s9 =	simm.s32 $0x0;
	s21 =	sshll.u32 s7, $0x1;
	s7 =	sadd.s32 s22, s5  }
0x9f: {  	[timem:s9], [sflag:s23] =	dma.local [hbm:s7], s21  }
0xa0: {  	_ =	swait.ge [sflag:s23], s21  }
0xa1: {  	s6 =	ssub.s32 $0x0, s21;
	[sflag:s23] =	ssyncset.done $0x0  }
0xa2: {  	[sflag:s23] =	ssyncadd.s32 s6;
	_ =	sdelay $0x1  }
0xa3: {  	s24 =	simm.s32 $0x1B8B  }
0xa4: {  	_ =	swait.ge [sflag:s24], $0x1  }
0xa5: {  	[sflag:s24] =	ssyncset.done $0x0  }
0xa6: {  	s25 =	simm.s32 $0x1B8E;
	[sflag:s24] =	ssyncadd.s32 $0xFFFFFFFF  }
0xa7: {  	s26 =	simm.s32 $execute0_lowered;
	[smem:$0x3FD2] =	sst s25  }
0xa8: {  	s6 =	sshll.u32 s26, $0x1;
	_ =	strace $0x80000046;
	[dreg:$0x1] =	wrdreg $0xFFFFFFFF  }
0xa9: {  	s28 =	simm.s32 $_size_execute0_lowered;
	s5 =	sadd.s32 s5, s6;
	[dreg:$0x0] =	wrdreg $0x0  }
0xaa: {  	s6 =	sshll.u32 s28, $0x1;
	[dreg:$0x2] =	wrdreg s5  }
0xab: {  	[dreg:$0x3] =	wrdreg s6  }
0xac: {  	[dreg:$0x4] =	wrdreg $0xC0  }
0xad: {  	_ =	task [dreg:s9], $0x5FFFF  }
0xae: {  	[dreg:$0x1] =	wrdreg $0xFFFFFFFF  }
0xaf: {  	[dreg:$0x0] =	wrdreg $0x60  }
0xb0: {  	[dreg:$0x2] =	wrdreg s2  }
0xb1: {  	[dreg:$0x3] =	wrdreg s19  }
0xb2: {  	[dreg:$0x4] =	wrdreg s4  }
0xb3: {  	[dreg:$0x5] =	wrdreg $0x9  }
0xb4: {  	_ =	task.clear_ibuf [dreg:s9], $0x6FFFF;
	_ =	strace $0x90000046  }
0xb5: {  	s29 =	simm.s32 $0x9;
	_ =	strace $0x80000048  }
0xb6: {  	_ =	swait.ge [sflag:s29], $0x1  }
0xb7: {  	[sflag:s29] =	ssyncadd.s32 $0xFFFFFFFF  }
0xb8: {  	_ =	strace $0x90000048  }
0xb9: {  	_ =	sfence  }
0xba: {  	s30 =	sld [smem:$0x0];
	_ =	sdelay $0x2  }
0xbb: {  	s31 =	sshll.u32 s1, $0xD;
	s1 =	sshrl.u32 s1, $0x2  }
0xbc: {  	s3 =	sand.u32 $0x4000, s31;
	s1 =	sadd.s32 s1, s30  }
0xbd: {  	s0 =	sor.u32 s3, s0;
	s1 =	sshll.u32 s1, $0x11  }
0xbe: {  	s0 =	sor.u32 s1, s0  }
0xbf: {  	s0 =	sadd.s32 $0x8F2B, s0  }
0xc0: {  	[sflag:s0] =	ssyncadd.remote.s32 $0x1  }
0xc1: {  	_ =	sfence.sel $0xFFFF  }
0xc2: {  	[dreg:$0x0] =	wrdreg $0xFFFFFFFF;
	(pc) =	sbr.abs _section_cstart, $3  }
0xc3: {  	[dreg:$0x1] =	wrdreg $0xFFFFFFFF  }
0xc4: {  	_ =	task.clear_ibuf [dreg:s9], $0x2FFFF;
	_ =	strace $0x9FFFFFFF  }
0xc5: {  	(tm) =	ssettm $0x7FFFFFFF  }
tec
execute0_lowered:
.L_overlay_start_1:
0x0: {  	(tag) =	ssettag $0x1  }
0x1: {  	s1 =	srdreg.scid;
	s0 =	stileid.u32  }
0x2: {  	s2 =	rddreg [dreg:$0x0];
	s17 =	sand.u32 $0x1, s1;
	s30 =	sshll.u32 s0, $0x1  }
0x3: {  	s15 =	rddreg [dreg:$0x1];
	s8 =	sor.u32 s17, s30  }
0x4: {  	s16 =	rddreg [dreg:$0x2];
	s18 =	smul.u32 $0x140, s8  }
0x5: {  	s3 =	simm.s32 $0x0;
	s1 =	rddreg [dreg:$0x3]  }
0x6: {  	[smem:$0x7FF] =	sst s3;
	s4 =	sshrl.u32 s18, $0x3  }
0x7: {  	_ =	strace $0x80000047;
	s5 =	sadd.s32 s15, s4;
	s4 =	simm.s32 $0x2  }
0x8: {  	[tilespmem:s3], [sflag:$0x2] =	stream.linear.gather [hbm4b:s5+s3], $0x40, $0x38;
	[tilespmem:$0x2040] =	vst v63  }
0x9: {  	_ =	swait.ge [sflag:s4], $0x40  }
0xa: {  	[sflag:s4] =	ssyncset.done $0x0  }
0xb: {  	s6 =	simm.s32 $0x40;
	s7 =	simm.s32 $0x1;
	[sflag:s4] =	ssyncadd.s32 $0xFFFFFFC0  }
0xc: {  	[tilespmem:s6], [sflag:$0x1] =	stream.indirect.gather [hbm4b:s2+s6], $0x80, s3, s6, $0xb8;
	[tilespmem:$0x2040] =	vst v63  }
0xd: {  	s8 =	smul.u32 $0x1400, s8;
	_ =	swait.ge [sflag:s7], $0x2000  }
0xe: {  	[sflag:s7] =	ssyncset.done $0x0  }
0xf: {  	s8 =	sadd.s32 s16, s8;
	[sflag:s7] =	ssyncadd.s32 $0xFFFFE000  }
0x10: {  	[hbm4b:s8+s3] =	stream.linear.scatter [tilespmem:s6], [sflag:$0x2], $0x2000, $0x38;
	[tilespmem:$0x2040] =	vst v63  }
0x11: {  	s10 =	sadd.s32 $0x40, s18;
	_ =	swait.ge [sflag:s4], $0x2000  }
0x12: {  	s9 =	sshrl.u32 s10, $0x3;
	[sflag:s4] =	ssyncset.done $0x0  }
0x13: {  	s9 =	sadd.s32 s15, s9;
	[sflag:s4] =	ssyncadd.s32 $0xFFFFE000  }
0x14: {  	[tilespmem:s3], [sflag:$0x2] =	stream.linear.gather [hbm4b:s9+s3], $0x40, $0x38;
	[tilespmem:$0x2040] =	vst v63  }
0x15: {  	_ =	swait.ge [sflag:s4], $0x40  }
0x16: {  	[sflag:s4] =	ssyncset.done $0x0  }
0x17: {  	[sflag:s4] =	ssyncadd.s32 $0xFFFFFFC0  }
0x18: {  	[tilespmem:s6], [sflag:$0x1] =	stream.indirect.gather [hbm4b:s2+s6], $0x80, s3, s6, $0xb8;
	[tilespmem:$0x2040] =	vst v63  }
0x19: {  	_ =	swait.ge [sflag:s7], $0x2000  }
0x1a: {  	s10 =	sshll.u32 s10, $0x4;
	[sflag:s7] =	ssyncset.done $0x0  }
0x1b: {  	s10 =	sadd.s32 s16, s10;
	[sflag:s7] =	ssyncadd.s32 $0xFFFFE000  }
0x1c: {  	[hbm4b:s10+s3] =	stream.linear.scatter [tilespmem:s6], [sflag:$0x2], $0x2000, $0x38;
	[tilespmem:$0x2040] =	vst v63  }
0x1d: {  	s12 =	sadd.s32 $0x80, s18;
	_ =	swait.ge [sflag:s4], $0x2000  }
0x1e: {  	s11 =	sshrl.u32 s12, $0x3;
	[sflag:s4] =	ssyncset.done $0x0  }
0x1f: {  	s11 =	sadd.s32 s15, s11;
	[sflag:s4] =	ssyncadd.s32 $0xFFFFE000  }
0x20: {  	[tilespmem:s3], [sflag:$0x2] =	stream.linear.gather [hbm4b:s11+s3], $0x40, $0x38;
	[tilespmem:$0x2040] =	vst v63  }
0x21: {  	_ =	swait.ge [sflag:s4], $0x40  }
0x22: {  	[sflag:s4] =	ssyncset.done $0x0  }
0x23: {  	[sflag:s4] =	ssyncadd.s32 $0xFFFFFFC0  }
0x24: {  	[tilespmem:s6], [sflag:$0x1] =	stream.indirect.gather [hbm4b:s2+s6], $0x80, s3, s6, $0xb8;
	[tilespmem:$0x2040] =	vst v63  }
0x25: {  	_ =	swait.ge [sflag:s7], $0x2000  }
0x26: {  	s12 =	sshll.u32 s12, $0x4;
	[sflag:s7] =	ssyncset.done $0x0  }
0x27: {  	s12 =	sadd.s32 s16, s12;
	[sflag:s7] =	ssyncadd.s32 $0xFFFFE000  }
0x28: {  	[hbm4b:s12+s3] =	stream.linear.scatter [tilespmem:s6], [sflag:$0x2], $0x2000, $0x38;
	[tilespmem:$0x2040] =	vst v63  }
0x29: {  	s14 =	sadd.s32 $0xC0, s18;
	_ =	swait.ge [sflag:s4], $0x2000  }
0x2a: {  	s13 =	sshrl.u32 s14, $0x3;
	[sflag:s4] =	ssyncset.done $0x0  }
0x2b: {  	s13 =	sadd.s32 s15, s13;
	[sflag:s4] =	ssyncadd.s32 $0xFFFFE000  }
0x2c: {  	[tilespmem:s3], [sflag:$0x2] =	stream.linear.gather [hbm4b:s13+s3], $0x40, $0x38;
	[tilespmem:$0x2040] =	vst v63  }
0x2d: {  	_ =	swait.ge [sflag:s4], $0x40  }
0x2e: {  	[sflag:s4] =	ssyncset.done $0x0  }
0x2f: {  	[sflag:s4] =	ssyncadd.s32 $0xFFFFFFC0  }
0x30: {  	[tilespmem:s6], [sflag:$0x1] =	stream.indirect.gather [hbm4b:s2+s6], $0x80, s3, s6, $0xb8;
	[tilespmem:$0x2040] =	vst v63  }
0x31: {  	_ =	swait.ge [sflag:s7], $0x2000  }
0x32: {  	s14 =	sshll.u32 s14, $0x4;
	[sflag:s7] =	ssyncset.done $0x0  }
0x33: {  	s14 =	sadd.s32 s16, s14;
	[sflag:s7] =	ssyncadd.s32 $0xFFFFE000  }
0x34: {  	[hbm4b:s14+s3] =	stream.linear.scatter [tilespmem:s6], [sflag:$0x2], $0x2000, $0x38;
	[tilespmem:$0x2040] =	vst v63  }
0x35: {  	s18 =	sadd.s32 $0x100, s18;
	_ =	swait.ge [sflag:s4], $0x2000  }
0x36: {  	s19 =	sshrl.u32 s18, $0x3;
	[sflag:s4] =	ssyncset.done $0x0  }
0x37: {  	s17 =	ssub.s32 $0x2, s17;
	s15 =	sadd.s32 s15, s19;
	[sflag:s4] =	ssyncadd.s32 $0xFFFFE000  }
0x38: {  	[tilespmem:s3], [sflag:$0x2] =	stream.linear.gather [hbm4b:s15+s3], $0x40, $0x38;
	[tilespmem:$0x2040] =	vst v63  }
0x39: {  	s31 =	sshrl.u32 s17, $0x1;
	_ =	swait.ge [sflag:s4], $0x40  }
0x3a: {  	s17 =	ssub.s32 s17, s31;
	[sflag:s4] =	ssyncset.done $0x0  }
0x3b: {  	s17 =	smax.u32 s17, $0x1;
	[sflag:s4] =	ssyncadd.s32 $0xFFFFFFC0  }
0x3c: {  	[tilespmem:s6], [sflag:$0x1] =	stream.indirect.gather [hbm4b:s2+s6], $0x80, s3, s6, $0xb8;
	[tilespmem:$0x2040] =	vst v63  }
0x3d: {  	p0 =	sne.s32 s17, $0x1;
	_ =	swait.ge [sflag:s7], $0x2000  }
.Ltmp0:
0x3e: {  	s18 =	sshll.u32 s18, $0x4;
	[sflag:s7] =	ssyncset.done $0x0;
	(pc) =	sbr.rel @!p0 .LBB2_2-.Ltmp0, $4  }
0x3f: {  	s16 =	sadd.s32 s16, s18;
	[sflag:s7] =	ssyncadd.s32 $0xFFFFE000  }
0x40: {  	[hbm4b:s16+s3] =	stream.linear.scatter [tilespmem:s6], [sflag:$0x2], $0x2000, $0x38;
	[tilespmem:$0x2040] =	vst v63  }
0x41: {  	_ =	swait.ge [sflag:s4], $0x2000  }
0x42: {  	s17 =	sadd.s32 $0xFFFFFFFF, s17;
	[sflag:s4] =	ssyncset.done $0x0  }
.LBB2_1:
0x43: {  	p0 =	sne.s32 s17, $0x1;
	s17 =	sadd.s32 $0xFFFFFFFF, s17;
	[sflag:s4] =	ssyncadd.s32 $0xFFFFE000  }
0x44: {  	[tilespmem:s3], [sflag:$0x2] =	stream.linear.gather [hbm4b:s5+s3], $0x40, $0x38;
	[tilespmem:$0x2040] =	vst v63  }
0x45: {  	_ =	swait.ge [sflag:s4], $0x40  }
0x46: {  	[sflag:s4] =	ssyncset.done $0x0  }
0x47: {  	[sflag:s4] =	ssyncadd.s32 $0xFFFFFFC0  }
0x48: {  	[tilespmem:s6], [sflag:$0x1] =	stream.indirect.gather [hbm4b:s2+s6], $0x80, s3, s6, $0xb8;
	[tilespmem:$0x2040] =	vst v63  }
0x49: {  	_ =	swait.ge [sflag:s7], $0x2000  }
0x4a: {  	[sflag:s7] =	ssyncset.done $0x0  }
0x4b: {  	[sflag:s7] =	ssyncadd.s32 $0xFFFFE000  }
0x4c: {  	[hbm4b:s8+s3] =	stream.linear.scatter [tilespmem:s6], [sflag:$0x2], $0x2000, $0x38;
	[tilespmem:$0x2040] =	vst v63  }
0x4d: {  	_ =	swait.ge [sflag:s4], $0x2000  }
0x4e: {  	[sflag:s4] =	ssyncset.done $0x0  }
0x4f: {  	[sflag:s4] =	ssyncadd.s32 $0xFFFFE000  }
0x50: {  	[tilespmem:s3], [sflag:$0x2] =	stream.linear.gather [hbm4b:s9+s3], $0x40, $0x38;
	[tilespmem:$0x2040] =	vst v63  }
0x51: {  	_ =	swait.ge [sflag:s4], $0x40  }
0x52: {  	[sflag:s4] =	ssyncset.done $0x0  }
0x53: {  	[sflag:s4] =	ssyncadd.s32 $0xFFFFFFC0  }
0x54: {  	[tilespmem:s6], [sflag:$0x1] =	stream.indirect.gather [hbm4b:s2+s6], $0x80, s3, s6, $0xb8;
	[tilespmem:$0x2040] =	vst v63  }
0x55: {  	_ =	swait.ge [sflag:s7], $0x2000  }
0x56: {  	[sflag:s7] =	ssyncset.done $0x0  }
0x57: {  	[sflag:s7] =	ssyncadd.s32 $0xFFFFE000  }
0x58: {  	[hbm4b:s10+s3] =	stream.linear.scatter [tilespmem:s6], [sflag:$0x2], $0x2000, $0x38;
	[tilespmem:$0x2040] =	vst v63  }
0x59: {  	_ =	swait.ge [sflag:s4], $0x2000  }
0x5a: {  	[sflag:s4] =	ssyncset.done $0x0  }
0x5b: {  	[sflag:s4] =	ssyncadd.s32 $0xFFFFE000  }
0x5c: {  	[tilespmem:s3], [sflag:$0x2] =	stream.linear.gather [hbm4b:s11+s3], $0x40, $0x38;
	[tilespmem:$0x2040] =	vst v63  }
0x5d: {  	_ =	swait.ge [sflag:s4], $0x40  }
0x5e: {  	[sflag:s4] =	ssyncset.done $0x0  }
0x5f: {  	[sflag:s4] =	ssyncadd.s32 $0xFFFFFFC0  }
0x60: {  	[tilespmem:s6], [sflag:$0x1] =	stream.indirect.gather [hbm4b:s2+s6], $0x80, s3, s6, $0xb8;
	[tilespmem:$0x2040] =	vst v63  }
0x61: {  	_ =	swait.ge [sflag:s7], $0x2000  }
0x62: {  	[sflag:s7] =	ssyncset.done $0x0  }
0x63: {  	[sflag:s7] =	ssyncadd.s32 $0xFFFFE000  }
0x64: {  	[hbm4b:s12+s3] =	stream.linear.scatter [tilespmem:s6], [sflag:$0x2], $0x2000, $0x38;
	[tilespmem:$0x2040] =	vst v63  }
0x65: {  	_ =	swait.ge [sflag:s4], $0x2000  }
0x66: {  	[sflag:s4] =	ssyncset.done $0x0  }
0x67: {  	[sflag:s4] =	ssyncadd.s32 $0xFFFFE000  }
0x68: {  	[tilespmem:s3], [sflag:$0x2] =	stream.linear.gather [hbm4b:s13+s3], $0x40, $0x38;
	[tilespmem:$0x2040] =	vst v63  }
0x69: {  	_ =	swait.ge [sflag:s4], $0x40  }
0x6a: {  	[sflag:s4] =	ssyncset.done $0x0  }
0x6b: {  	[sflag:s4] =	ssyncadd.s32 $0xFFFFFFC0  }
0x6c: {  	[tilespmem:s6], [sflag:$0x1] =	stream.indirect.gather [hbm4b:s2+s6], $0x80, s3, s6, $0xb8;
	[tilespmem:$0x2040] =	vst v63  }
0x6d: {  	_ =	swait.ge [sflag:s7], $0x2000  }
0x6e: {  	[sflag:s7] =	ssyncset.done $0x0  }
0x6f: {  	[sflag:s7] =	ssyncadd.s32 $0xFFFFE000  }
0x70: {  	[hbm4b:s14+s3] =	stream.linear.scatter [tilespmem:s6], [sflag:$0x2], $0x2000, $0x38;
	[tilespmem:$0x2040] =	vst v63  }
0x71: {  	_ =	swait.ge [sflag:s4], $0x2000  }
0x72: {  	[sflag:s4] =	ssyncset.done $0x0  }
0x73: {  	[sflag:s4] =	ssyncadd.s32 $0xFFFFE000  }
0x74: {  	[tilespmem:s3], [sflag:$0x2] =	stream.linear.gather [hbm4b:s15+s3], $0x40, $0x38;
	[tilespmem:$0x2040] =	vst v63  }
0x75: {  	_ =	swait.ge [sflag:s4], $0x40  }
0x76: {  	[sflag:s4] =	ssyncset.done $0x0  }
0x77: {  	[sflag:s4] =	ssyncadd.s32 $0xFFFFFFC0  }
0x78: {  	[tilespmem:s6], [sflag:$0x1] =	stream.indirect.gather [hbm4b:s2+s6], $0x80, s3, s6, $0xb8;
	[tilespmem:$0x2040] =	vst v63  }
0x79: {  	_ =	swait.ge [sflag:s7], $0x2000  }
.Ltmp1:
0x7a: {  	[sflag:s7] =	ssyncset.done $0x0;
	(pc) =	sbr.rel @p0 .LBB2_1-.Ltmp1, $4  }
0x7b: {  	[sflag:s7] =	ssyncadd.s32 $0xFFFFE000  }
0x7c: {  	[hbm4b:s16+s3] =	stream.linear.scatter [tilespmem:s6], [sflag:$0x2], $0x2000, $0x38;
	[tilespmem:$0x2040] =	vst v63  }
0x7d: {  	_ =	swait.ge [sflag:s4], $0x2000  }
0x7e: {  	[sflag:s4] =	ssyncset.done $0x0  }
.LBB2_2:
0x7f: {  	[sflag:s4] =	ssyncadd.s32 $0xFFFFE000  }
0x80: {  	_ =	sfence.sel $0x180000  }
0x81: {  	[bflag:$0x0] =	sbarrier.arrive $0xFFFF  }
0x82: {  	p0 =	sne.s32 s0, $0x0;
	_ =	strace $0x90000047  }
0x83: {  	s0 =	sadd.s32 @!p0 $0x100000, s1;
	[bflag:$0x2] =	sbarrier.arrive $0xFFFF  }
0x84: {  	[sflag:s0] =	ssyncadd.tile.s32 @!p0 $0x1;
	_ =	shalt  }
.Lfunc_end2:
_tile_overlayer_lowered:
.L_overlay_start_2:
0x85: {  	(tag) =	ssettag $0x2  }
0x86: {  	s0 =	rddreg [dreg:$0x0];
	s2 =	stileid.u32  }
0x87: {  	s1 =	rddreg [dreg:$0x1];
	p0 =	sne.s32 s2, $0x0  }
0x88: {  	s3 =	rddreg [dreg:$0x2];
	[bflag:$0x3] =	sbarrier.arrive $0xFFFF;
	s2 =	simm.s32 @!p0 $0x1C02  }
0x89: {  	[timem:s3], [sflag:s2] =	dma.local @!p0 [hbm:s0], s1  }
0x8a: {  	s0 =	simm.s32 @!p0 $0x2  }
0x8b: {  	_ =	swait.ge @!p0 [sflag:s0], s1  }
0x8c: {  	s1 =	ssub.s32 @!p0 $0x0, s1;
	[sflag:s0] =	ssyncset.done @!p0 $0x0  }
0x8d: {  	[sflag:s0] =	ssyncadd.s32 @!p0 s1  }
0x8e: {  	[bflag:$0x3] =	sbarrier.arrive $0xFFFF  }
0x8f: {  	_ =	shalt  }

</sc_bundles>
